<compile_context>
chip_gen: v7x
topology: tpu7x:2x2x1
jax: 0.10.2.dev20260603
libtpu: 0.0.44.dev20260713+nightly
codegen_flags: <defaults>
</compile_context>

<pallas_src>
import functools

import jax
import jax.numpy as jnp
from jax import lax
from jax.experimental import pallas as pl
from jax.experimental.pallas import tpu as pltpu
from jax.experimental.pallas import tpu_sc as plsc

N_NODES = 10000
N_EDGES = 320000
D_FEAT = 128

NUM_CORES = 2
NUM_SUBCORES = 16
NUM_WORKERS = NUM_CORES * NUM_SUBCORES
EDGES_PER_WORKER = N_EDGES // NUM_WORKERS
LANES = 16

ROW_BLOCK = 2048
N_BLOCKS = 5
CNT_PAD = N_BLOCKS * ROW_BLOCK


EDGE_TILES = N_EDGES // 128
MAX_WORKER_TILES = 79


def _histogram_body(edges_hbm, out_hbm, idx_v, cnt_v, sem):
    c = lax.axis_index("c")
    s = lax.axis_index("s")
    wid = s * NUM_CORES + c
    t0 = (wid * EDGE_TILES) // NUM_WORKERS
    t1 = ((wid + 1) * EDGE_TILES) // NUM_WORKERS

    cp = pltpu.async_copy(
        edges_hbm.at[:, pl.ds(t0 * 128, MAX_WORKER_TILES * 128)], idx_v, sem
    )

    zeros = jnp.zeros((LANES,), jnp.float32)

    def zero_body(i, _):
        cnt_v[pl.ds(i * LANES, LANES)] = zeros
        return ()

    lax.fori_loop(0, CNT_PAD // LANES, zero_body, (), unroll=8)

    cp.wait()

    ones = jnp.ones((LANES,), jnp.float32)

    @plsc.parallel_loop(0, t1 - t0, 1, unroll=2)
    def tile_body(t):
        for j in range(128 // LANES):
            idx = idx_v[1, pl.ds(t * 128 + j * LANES, LANES)]
            plsc.addupdate_scatter(cnt_v, [idx], ones)

    pltpu.sync_copy(cnt_v, out_hbm.at[wid])


@functools.cache
def _histogram():
    return pl.kernel(
        _histogram_body,
        out_type=jax.ShapeDtypeStruct((NUM_WORKERS, CNT_PAD), jnp.float32),
        mesh=plsc.VectorSubcoreMesh(core_axis_name="c", subcore_axis_name="s"),
        scratch_types=[
            pltpu.VMEM((2, MAX_WORKER_TILES * 128), jnp.int32),
            pltpu.VMEM((CNT_PAD,), jnp.float32),
            pltpu.SemaphoreType.DMA,
        ],
        compiler_params=pltpu.CompilerParams(
            needs_layout_passes=False,
            skip_device_barrier=True,
            disable_bounds_checks=True,
            disable_semaphore_checks=True,
        ),
        name="edge_target_histogram",
    )


def _scale_matmul_body(x_ref, w_ref, cnt_ref, o_ref):
    deg = jnp.sum(cnt_ref[...], axis=0)
    y = jnp.dot(x_ref[...], w_ref[...], preferred_element_type=jnp.float32)
    o_ref[...] = y * deg[:, None]


def kernel(edge_index, x, W):
    partial_counts = _histogram()(edge_index)

    out = pl.pallas_call(
        _scale_matmul_body,
        grid=(N_BLOCKS,),
        in_specs=[
            pl.BlockSpec((ROW_BLOCK, D_FEAT), lambda i: (i, 0)),
            pl.BlockSpec((D_FEAT, D_FEAT), lambda i: (0, 0)),
            pl.BlockSpec((NUM_WORKERS, ROW_BLOCK), lambda i: (0, i)),
        ],
        out_specs=pl.BlockSpec((ROW_BLOCK, D_FEAT), lambda i: (i, 0)),
        out_shape=jax.ShapeDtypeStruct((N_NODES, D_FEAT), jnp.float32),
    )(x, W, partial_counts)
    return out

# --- scband reference (transcript-rebuilt; emitter-appended) ---
"""Pipeline reference for scband-message-passing-75033078661204 (READ-ONLY COPY).

The authoritative reference and input builder live on the scoring server;
editing this copy changes nothing except your own understanding.
"""

import jax, jax.numpy as jnp
import numpy as np

N_NODES = 10000
N_EDGES = 320000
D_FEAT = 128


def setup_inputs(seed: int = 0) -> dict:
    key = jax.random.key(seed)
    k1, k2, k3 = jax.random.split(key, 3)
    edge_index = jax.random.randint(k1, (2, N_EDGES), 0, N_NODES, dtype=jnp.int64 if jax.config.jax_enable_x64 else jnp.int32).astype(jnp.int32)
    x = jax.random.normal(k2, (N_NODES, D_FEAT), dtype=jnp.float32)
    W = jax.random.normal(k3, (D_FEAT, D_FEAT), dtype=jnp.float32)
    return {"edge_index": edge_index, "x": x, "W": W}


def reference(edge_index, x, W):
    # propagate: source, target = edge_index; messages = message(x[target], W)
    # message is abstract in the base class; the canonical concrete form uses the
    # passed weight matrix W as a linear transform on gathered node features.
    source = edge_index[0]
    target = edge_index[1]
    x_j = jnp.take(x, target, axis=0)            # gather  [E, d]
    messages = x_j @ W                            # per-edge linear message [E, d]
    aggr_messages = jnp.zeros_like(x).at[target].add(messages)  # scatter-add (index_add_)
    return aggr_messages

if __name__ == "__main__":
    import jax
    _d = setup_inputs()
    print(jax.jit(kernel)(*tuple(_d.values())))

</pallas_src>

<mosaic_0001>
#map = affine_map<(d0, d1) -> (0, 0)>
module attributes {stable_mosaic.version = 14 : i64} {
  func.func @edge_target_histogram(%arg0: i32, %arg1: i32, %arg2: memref<2x320000xi32, #tpu.memory_space<hbm>>, %arg3: memref<32x10240xf32, #tpu.memory_space<hbm>>, %arg4: memref<2x10112xi32, #tpu.memory_space<vmem>>, %arg5: memref<10240xf32, #tpu.memory_space<vmem>>, %arg6: memref<!tpu.dma_semaphore, #tpu.memory_space<semaphore_mem>>) attributes {dimension_semantics = [#tpu.dimension_semantics<core_parallel>, #tpu.dimension_semantics<subcore_parallel>], iteration_bounds = array<i64: 2, 16>, scalar_prefetch = 0 : i64, scratch_operands = 3 : i64, tpu.core_type = #tpu.core_type<sc_vector_subcore>, window_params = [{transform_indices = #map}, {transform_indices = #map}]} {
    %mul3A = arith.constant 2 : i32
    %mul3A_0 = arith.muli %arg1, %mul3A : i32
    %add3A = arith.addi %mul3A_0, %arg0 : i32
    %mul3A_1 = arith.constant 2500 : i32
    %mul3A_2 = arith.muli %add3A, %mul3A_1 : i32
    %jit3A = arith.constant 32 : i32
    %div3A = arith.divsi %mul3A_2, %jit3A : i32
    %sign3A = arith.constant 0 : i32
    %sign3A_3 = arith.cmpi sgt, %mul3A_2, %sign3A : i32
    %sign3A_4 = arith.extui %sign3A_3 : i1 to i32
    %sign3A_5 = arith.constant 0 : i32
    %sign3A_6 = arith.cmpi slt, %mul3A_2, %sign3A_5 : i32
    %sign3A_7 = arith.extui %sign3A_6 : i1 to i32
    %sign3A_8 = arith.subi %sign3A_4, %sign3A_7 : i32
    %sign3A_9 = arith.constant 0 : i32
    %sign3A_10 = arith.cmpi sgt, %jit3A, %sign3A_9 : i32
    %sign3A_11 = arith.extui %sign3A_10 : i1 to i32
    %sign3A_12 = arith.constant 0 : i32
    %sign3A_13 = arith.cmpi slt, %jit3A, %sign3A_12 : i32
    %sign3A_14 = arith.extui %sign3A_13 : i1 to i32
    %sign3A_15 = arith.subi %sign3A_11, %sign3A_14 : i32
    %ne3A = arith.cmpi ne, %sign3A_8, %sign3A_15 : i32
    %rem3A = arith.remsi %mul3A_2, %jit3A : i32
    %ne3A_16 = arith.constant 0 : i32
    %ne3A_17 = arith.cmpi ne, %rem3A, %ne3A_16 : i32
    %and3A = arith.andi %ne3A, %ne3A_17 : i1
    %sub3A = arith.constant 1 : i32
    %sub3A_18 = arith.subi %div3A, %sub3A : i32
    %select_n3A = arith.select %and3A, %sub3A_18, %div3A : i32
    %add3A_19 = arith.constant 1 : i32
    %add3A_20 = arith.addi %add3A, %add3A_19 : i32
    %mul3A_21 = arith.constant 2500 : i32
    %mul3A_22 = arith.muli %add3A_20, %mul3A_21 : i32
    %jit3A_23 = arith.constant 32 : i32
    %div3A_24 = arith.divsi %mul3A_22, %jit3A_23 : i32
    %sign3A_25 = arith.constant 0 : i32
    %sign3A_26 = arith.cmpi sgt, %mul3A_22, %sign3A_25 : i32
    %sign3A_27 = arith.extui %sign3A_26 : i1 to i32
    %sign3A_28 = arith.constant 0 : i32
    %sign3A_29 = arith.cmpi slt, %mul3A_22, %sign3A_28 : i32
    %sign3A_30 = arith.extui %sign3A_29 : i1 to i32
    %sign3A_31 = arith.subi %sign3A_27, %sign3A_30 : i32
    %sign3A_32 = arith.constant 0 : i32
    %sign3A_33 = arith.cmpi sgt, %jit3A_23, %sign3A_32 : i32
    %sign3A_34 = arith.extui %sign3A_33 : i1 to i32
    %sign3A_35 = arith.constant 0 : i32
    %sign3A_36 = arith.cmpi slt, %jit3A_23, %sign3A_35 : i32
    %sign3A_37 = arith.extui %sign3A_36 : i1 to i32
    %sign3A_38 = arith.subi %sign3A_34, %sign3A_37 : i32
    %ne3A_39 = arith.cmpi ne, %sign3A_31, %sign3A_38 : i32
    %rem3A_40 = arith.remsi %mul3A_22, %jit3A_23 : i32
    %ne3A_41 = arith.constant 0 : i32
    %ne3A_42 = arith.cmpi ne, %rem3A_40, %ne3A_41 : i32
    %and3A_43 = arith.andi %ne3A_39, %ne3A_42 : i1
    %sub3A_44 = arith.constant 1 : i32
    %sub3A_45 = arith.subi %div3A_24, %sub3A_44 : i32
    %select_n3A_46 = arith.select %and3A_43, %sub3A_45, %div3A_24 : i32
    %mul3A_47 = arith.constant 128 : i32
    %mul3A_48 = arith.muli %select_n3A, %mul3A_47 : i32
    %dma_start3A = arith.constant 0 : i32
    %dma_start3A_49 = tpu.memref_slice %arg2[%dma_start3A, %mul3A_48] : memref<2x320000xi32, #tpu.memory_space<hbm>> -> memref<2x10112xi32, #tpu.memory_space<hbm>>
    %dma_start3A_50 = arith.constant 0 : i32
    %dma_start3A_51 = tpu.memref_slice %arg2[%dma_start3A_50, %mul3A_48] : memref<2x320000xi32, #tpu.memory_space<hbm>> -> memref<2x10112xi32, #tpu.memory_space<hbm>>
    tpu.enqueue_dma source(%dma_start3A_51 : memref<2x10112xi32, #tpu.memory_space<hbm>>) target(%arg4 : memref<2x10112xi32, #tpu.memory_space<vmem>>) target_semaphore(%arg6 : memref<!tpu.dma_semaphore, #tpu.memory_space<semaphore_mem>>)
    %broadcast_in_dim3A = arith.constant 0.000000e+00 : f32
    %broadcast_in_dim3A_52 = vector.broadcast %broadcast_in_dim3A : f32 to vector<16xf32>
    %scan3A = arith.constant 0 : i32
    %scan3A_53 = arith.constant 640 : i32
    %scan3A_54 = arith.addi %scan3A, %scan3A_53 : i32
    %scan3A_55 = arith.constant 8 : i32
    scf.for %scan3A_64 = %scan3A to %scan3A_54 step %scan3A_55  : i32 {
      %mul3A_65 = arith.constant 16 : i32
      %mul3A_66 = arith.muli %scan3A_64, %mul3A_65 : i32
      %swap3A = arith.index_cast %mul3A_66 : i32 to index
      %swap3A_67 = tpu.vector_load %arg5[%swap3A] {strides = array<i32>} : memref<10240xf32, #tpu.memory_space<vmem>>, vector<16xf32>,
      tpu.vector_store %arg5[%swap3A], %broadcast_in_dim3A_52 {strides = array<i32>} : memref<10240xf32, #tpu.memory_space<vmem>>, vector<16xf32>,
      %scan3A_68 = arith.constant 1 : i32
      %scan3A_69 = arith.addi %scan3A_64, %scan3A_68 : i32
      %mul3A_70 = arith.constant 16 : i32
      %mul3A_71 = arith.muli %scan3A_69, %mul3A_70 : i32
      %swap3A_72 = arith.index_cast %mul3A_71 : i32 to index
      %swap3A_73 = tpu.vector_load %arg5[%swap3A_72] {strides = array<i32>} : memref<10240xf32, #tpu.memory_space<vmem>>, vector<16xf32>,
      tpu.vector_store %arg5[%swap3A_72], %broadcast_in_dim3A_52 {strides = array<i32>} : memref<10240xf32, #tpu.memory_space<vmem>>, vector<16xf32>,
      %scan3A_74 = arith.constant 2 : i32
      %scan3A_75 = arith.addi %scan3A_64, %scan3A_74 : i32
      %mul3A_76 = arith.constant 16 : i32
      %mul3A_77 = arith.muli %scan3A_75, %mul3A_76 : i32
      %swap3A_78 = arith.index_cast %mul3A_77 : i32 to index
      %swap3A_79 = tpu.vector_load %arg5[%swap3A_78] {strides = array<i32>} : memref<10240xf32, #tpu.memory_space<vmem>>, vector<16xf32>,
      tpu.vector_store %arg5[%swap3A_78], %broadcast_in_dim3A_52 {strides = array<i32>} : memref<10240xf32, #tpu.memory_space<vmem>>, vector<16xf32>,
      %scan3A_80 = arith.constant 3 : i32
      %scan3A_81 = arith.addi %scan3A_64, %scan3A_80 : i32
      %mul3A_82 = arith.constant 16 : i32
      %mul3A_83 = arith.muli %scan3A_81, %mul3A_82 : i32
      %swap3A_84 = arith.index_cast %mul3A_83 : i32 to index
      %swap3A_85 = tpu.vector_load %arg5[%swap3A_84] {strides = array<i32>} : memref<10240xf32, #tpu.memory_space<vmem>>, vector<16xf32>,
      tpu.vector_store %arg5[%swap3A_84], %broadcast_in_dim3A_52 {strides = array<i32>} : memref<10240xf32, #tpu.memory_space<vmem>>, vector<16xf32>,
      %scan3A_86 = arith.constant 4 : i32
      %scan3A_87 = arith.addi %scan3A_64, %scan3A_86 : i32
      %mul3A_88 = arith.constant 16 : i32
      %mul3A_89 = arith.muli %scan3A_87, %mul3A_88 : i32
      %swap3A_90 = arith.index_cast %mul3A_89 : i32 to index
      %swap3A_91 = tpu.vector_load %arg5[%swap3A_90] {strides = array<i32>} : memref<10240xf32, #tpu.memory_space<vmem>>, vector<16xf32>,
      tpu.vector_store %arg5[%swap3A_90], %broadcast_in_dim3A_52 {strides = array<i32>} : memref<10240xf32, #tpu.memory_space<vmem>>, vector<16xf32>,
      %scan3A_92 = arith.constant 5 : i32
      %scan3A_93 = arith.addi %scan3A_64, %scan3A_92 : i32
      %mul3A_94 = arith.constant 16 : i32
      %mul3A_95 = arith.muli %scan3A_93, %mul3A_94 : i32
      %swap3A_96 = arith.index_cast %mul3A_95 : i32 to index
      %swap3A_97 = tpu.vector_load %arg5[%swap3A_96] {strides = array<i32>} : memref<10240xf32, #tpu.memory_space<vmem>>, vector<16xf32>,
      tpu.vector_store %arg5[%swap3A_96], %broadcast_in_dim3A_52 {strides = array<i32>} : memref<10240xf32, #tpu.memory_space<vmem>>, vector<16xf32>,
      %scan3A_98 = arith.constant 6 : i32
      %scan3A_99 = arith.addi %scan3A_64, %scan3A_98 : i32
      %mul3A_100 = arith.constant 16 : i32
      %mul3A_101 = arith.muli %scan3A_99, %mul3A_100 : i32
      %swap3A_102 = arith.index_cast %mul3A_101 : i32 to index
      %swap3A_103 = tpu.vector_load %arg5[%swap3A_102] {strides = array<i32>} : memref<10240xf32, #tpu.memory_space<vmem>>, vector<16xf32>,
      tpu.vector_store %arg5[%swap3A_102], %broadcast_in_dim3A_52 {strides = array<i32>} : memref<10240xf32, #tpu.memory_space<vmem>>, vector<16xf32>,
      %scan3A_104 = arith.constant 7 : i32
      %scan3A_105 = arith.addi %scan3A_64, %scan3A_104 : i32
      %mul3A_106 = arith.constant 16 : i32
      %mul3A_107 = arith.muli %scan3A_105, %mul3A_106 : i32
      %swap3A_108 = arith.index_cast %mul3A_107 : i32 to index
      %swap3A_109 = tpu.vector_load %arg5[%swap3A_108] {strides = array<i32>} : memref<10240xf32, #tpu.memory_space<vmem>>, vector<16xf32>,
      tpu.vector_store %arg5[%swap3A_108], %broadcast_in_dim3A_52 {strides = array<i32>} : memref<10240xf32, #tpu.memory_space<vmem>>, vector<16xf32>,
    }
    %scan3A_56 = arith.constant 640 : i32
    %dma_wait3A = arith.constant 0 : i32
    %dma_wait3A_57 = tpu.memref_slice %arg2[%dma_wait3A, %mul3A_48] : memref<2x320000xi32, #tpu.memory_space<hbm>> -> memref<2x10112xi32, #tpu.memory_space<hbm>>
    %dma_wait3A_58 = arith.constant 0 : i32
    %dma_wait3A_59 = tpu.memref_slice %arg2[%dma_wait3A_58, %mul3A_48] : memref<2x320000xi32, #tpu.memory_space<hbm>> -> memref<2x10112xi32, #tpu.memory_space<hbm>>
    tpu.wait_dma2 semaphore(%arg6 : memref<!tpu.dma_semaphore, #tpu.memory_space<semaphore_mem>>) src(%dma_wait3A_59 : memref<2x10112xi32, #tpu.memory_space<hbm>>) dst(%arg4 : memref<2x10112xi32, #tpu.memory_space<vmem>>)
    %broadcast_in_dim3A_60 = arith.constant 1.000000e+00 : f32
    %broadcast_in_dim3A_61 = vector.broadcast %broadcast_in_dim3A_60 : f32 to vector<16xf32>
    %sub3A_62 = arith.subi %select_n3A_46, %select_n3A : i32
    %parallel_loop3A = arith.constant 0 : i32
    %parallel_loop3A_63 = arith.constant 1 : i32
    scf.for %parallel_loop3A_64 = %parallel_loop3A to %sub3A_62 step %parallel_loop3A_63  : i32 {
      %parallel_loop3A_65 = arith.constant 128 : i32
      %parallel_loop3A_66 = arith.muli %parallel_loop3A_64, %parallel_loop3A_65 : i32
      %parallel_loop3A_67 = arith.constant 0 : i32
      %parallel_loop3A_68 = arith.addi %parallel_loop3A_66, %parallel_loop3A_67 : i32
      %parallel_loop3A_69 = arith.constant 1 : i32
      %parallel_loop3A_70 = arith.index_cast %parallel_loop3A_69 : i32 to index
      %parallel_loop3A_71 = arith.index_cast %parallel_loop3A_68 : i32 to index
      %parallel_loop3A_72 = tpu.vector_load %arg4[%parallel_loop3A_70, %parallel_loop3A_71] {strides = array<i32>} : memref<2x10112xi32, #tpu.memory_space<vmem>>, vector<16xi32>,
      tpu.vector_store_idx %arg5[%parallel_loop3A_72], %broadcast_in_dim3A_61 {add = true} : memref<10240xf32, #tpu.memory_space<vmem>>[vector<16xi32>], vector<16xf32>,
      %parallel_loop3A_73 = arith.constant 128 : i32
      %parallel_loop3A_74 = arith.muli %parallel_loop3A_64, %parallel_loop3A_73 : i32
      %parallel_loop3A_75 = arith.constant 16 : i32
      %parallel_loop3A_76 = arith.addi %parallel_loop3A_74, %parallel_loop3A_75 : i32
      %parallel_loop3A_77 = arith.constant 1 : i32
      %parallel_loop3A_78 = arith.index_cast %parallel_loop3A_77 : i32 to index
      %parallel_loop3A_79 = arith.index_cast %parallel_loop3A_76 : i32 to index
      %parallel_loop3A_80 = tpu.vector_load %arg4[%parallel_loop3A_78, %parallel_loop3A_79] {strides = array<i32>} : memref<2x10112xi32, #tpu.memory_space<vmem>>, vector<16xi32>,
      tpu.vector_store_idx %arg5[%parallel_loop3A_80], %broadcast_in_dim3A_61 {add = true} : memref<10240xf32, #tpu.memory_space<vmem>>[vector<16xi32>], vector<16xf32>,
      %parallel_loop3A_81 = arith.constant 128 : i32
      %parallel_loop3A_82 = arith.muli %parallel_loop3A_64, %parallel_loop3A_81 : i32
      %parallel_loop3A_83 = arith.constant 32 : i32
      %parallel_loop3A_84 = arith.addi %parallel_loop3A_82, %parallel_loop3A_83 : i32
      %parallel_loop3A_85 = arith.constant 1 : i32
      %parallel_loop3A_86 = arith.index_cast %parallel_loop3A_85 : i32 to index
      %parallel_loop3A_87 = arith.index_cast %parallel_loop3A_84 : i32 to index
      %parallel_loop3A_88 = tpu.vector_load %arg4[%parallel_loop3A_86, %parallel_loop3A_87] {strides = array<i32>} : memref<2x10112xi32, #tpu.memory_space<vmem>>, vector<16xi32>,
      tpu.vector_store_idx %arg5[%parallel_loop3A_88], %broadcast_in_dim3A_61 {add = true} : memref<10240xf32, #tpu.memory_space<vmem>>[vector<16xi32>], vector<16xf32>,
      %parallel_loop3A_89 = arith.constant 128 : i32
      %parallel_loop3A_90 = arith.muli %parallel_loop3A_64, %parallel_loop3A_89 : i32
      %parallel_loop3A_91 = arith.constant 48 : i32
      %parallel_loop3A_92 = arith.addi %parallel_loop3A_90, %parallel_loop3A_91 : i32
      %parallel_loop3A_93 = arith.constant 1 : i32
      %parallel_loop3A_94 = arith.index_cast %parallel_loop3A_93 : i32 to index
      %parallel_loop3A_95 = arith.index_cast %parallel_loop3A_92 : i32 to index
      %parallel_loop3A_96 = tpu.vector_load %arg4[%parallel_loop3A_94, %parallel_loop3A_95] {strides = array<i32>} : memref<2x10112xi32, #tpu.memory_space<vmem>>, vector<16xi32>,
      tpu.vector_store_idx %arg5[%parallel_loop3A_96], %broadcast_in_dim3A_61 {add = true} : memref<10240xf32, #tpu.memory_space<vmem>>[vector<16xi32>], vector<16xf32>,
      %parallel_loop3A_97 = arith.constant 128 : i32
      %parallel_loop3A_98 = arith.muli %parallel_loop3A_64, %parallel_loop3A_97 : i32
      %parallel_loop3A_99 = arith.constant 64 : i32
      %parallel_loop3A_100 = arith.addi %parallel_loop3A_98, %parallel_loop3A_99 : i32
      %parallel_loop3A_101 = arith.constant 1 : i32
      %parallel_loop3A_102 = arith.index_cast %parallel_loop3A_101 : i32 to index
      %parallel_loop3A_103 = arith.index_cast %parallel_loop3A_100 : i32 to index
      %parallel_loop3A_104 = tpu.vector_load %arg4[%parallel_loop3A_102, %parallel_loop3A_103] {strides = array<i32>} : memref<2x10112xi32, #tpu.memory_space<vmem>>, vector<16xi32>,
      tpu.vector_store_idx %arg5[%parallel_loop3A_104], %broadcast_in_dim3A_61 {add = true} : memref<10240xf32, #tpu.memory_space<vmem>>[vector<16xi32>], vector<16xf32>,
      %parallel_loop3A_105 = arith.constant 128 : i32
      %parallel_loop3A_106 = arith.muli %parallel_loop3A_64, %parallel_loop3A_105 : i32
      %parallel_loop3A_107 = arith.constant 80 : i32
      %parallel_loop3A_108 = arith.addi %parallel_loop3A_106, %parallel_loop3A_107 : i32
      %parallel_loop3A_109 = arith.constant 1 : i32
      %parallel_loop3A_110 = arith.index_cast %parallel_loop3A_109 : i32 to index
      %parallel_loop3A_111 = arith.index_cast %parallel_loop3A_108 : i32 to index
      %parallel_loop3A_112 = tpu.vector_load %arg4[%parallel_loop3A_110, %parallel_loop3A_111] {strides = array<i32>} : memref<2x10112xi32, #tpu.memory_space<vmem>>, vector<16xi32>,
      tpu.vector_store_idx %arg5[%parallel_loop3A_112], %broadcast_in_dim3A_61 {add = true} : memref<10240xf32, #tpu.memory_space<vmem>>[vector<16xi32>], vector<16xf32>,
      %parallel_loop3A_113 = arith.constant 128 : i32
      %parallel_loop3A_114 = arith.muli %parallel_loop3A_64, %parallel_loop3A_113 : i32
      %parallel_loop3A_115 = arith.constant 96 : i32
      %parallel_loop3A_116 = arith.addi %parallel_loop3A_114, %parallel_loop3A_115 : i32
      %parallel_loop3A_117 = arith.constant 1 : i32
      %parallel_loop3A_118 = arith.index_cast %parallel_loop3A_117 : i32 to index
      %parallel_loop3A_119 = arith.index_cast %parallel_loop3A_116 : i32 to index
      %parallel_loop3A_120 = tpu.vector_load %arg4[%parallel_loop3A_118, %parallel_loop3A_119] {strides = array<i32>} : memref<2x10112xi32, #tpu.memory_space<vmem>>, vector<16xi32>,
      tpu.vector_store_idx %arg5[%parallel_loop3A_120], %broadcast_in_dim3A_61 {add = true} : memref<10240xf32, #tpu.memory_space<vmem>>[vector<16xi32>], vector<16xf32>,
      %parallel_loop3A_121 = arith.constant 128 : i32
      %parallel_loop3A_122 = arith.muli %parallel_loop3A_64, %parallel_loop3A_121 : i32
      %parallel_loop3A_123 = arith.constant 112 : i32
      %parallel_loop3A_124 = arith.addi %parallel_loop3A_122, %parallel_loop3A_123 : i32
      %parallel_loop3A_125 = arith.constant 1 : i32
      %parallel_loop3A_126 = arith.index_cast %parallel_loop3A_125 : i32 to index
      %parallel_loop3A_127 = arith.index_cast %parallel_loop3A_124 : i32 to index
      %parallel_loop3A_128 = tpu.vector_load %arg4[%parallel_loop3A_126, %parallel_loop3A_127] {strides = array<i32>} : memref<2x10112xi32, #tpu.memory_space<vmem>>, vector<16xi32>,
      tpu.vector_store_idx %arg5[%parallel_loop3A_128], %broadcast_in_dim3A_61 {add = true} : memref<10240xf32, #tpu.memory_space<vmem>>[vector<16xi32>], vector<16xf32>,
    } {sc.loop_unroll_factor = 2 : i64, sc.parallel_access}
    "tpu.region"() ({
      %run_scoped3A = tpu.sem_alloc : memref<!tpu.dma_semaphore, #tpu.memory_space<semaphore_mem>>
      %dma_start3A_64 = arith.constant 0 : i32
      %dma_start3A_65 = tpu.memref_slice %arg3[%add3A, %dma_start3A_64] : memref<32x10240xf32, #tpu.memory_space<hbm>> -> memref<1x10240xf32, #tpu.memory_space<hbm>>
      %dma_start3A_66 = tpu.memref_squeeze %dma_start3A_65 : memref<1x10240xf32, #tpu.memory_space<hbm>> -> memref<10240xf32, #tpu.memory_space<hbm>>
      %dma_start3A_67 = arith.constant 0 : i32
      %dma_start3A_68 = tpu.memref_slice %arg3[%add3A, %dma_start3A_67] : memref<32x10240xf32, #tpu.memory_space<hbm>> -> memref<1x10240xf32, #tpu.memory_space<hbm>>
      %dma_start3A_69 = tpu.memref_squeeze %dma_start3A_68 : memref<1x10240xf32, #tpu.memory_space<hbm>> -> memref<10240xf32, #tpu.memory_space<hbm>>
      tpu.enqueue_dma source(%arg5 : memref<10240xf32, #tpu.memory_space<vmem>>) target(%dma_start3A_69 : memref<10240xf32, #tpu.memory_space<hbm>>) target_semaphore(%run_scoped3A : memref<!tpu.dma_semaphore, #tpu.memory_space<semaphore_mem>>)
      %dma_wait3A_70 = arith.constant 0 : i32
      %dma_wait3A_71 = tpu.memref_slice %arg3[%add3A, %dma_wait3A_70] : memref<32x10240xf32, #tpu.memory_space<hbm>> -> memref<1x10240xf32, #tpu.memory_space<hbm>>
      %dma_wait3A_72 = tpu.memref_squeeze %dma_wait3A_71 : memref<1x10240xf32, #tpu.memory_space<hbm>> -> memref<10240xf32, #tpu.memory_space<hbm>>
      %dma_wait3A_73 = arith.constant 0 : i32
      %dma_wait3A_74 = tpu.memref_slice %arg3[%add3A, %dma_wait3A_73] : memref<32x10240xf32, #tpu.memory_space<hbm>> -> memref<1x10240xf32, #tpu.memory_space<hbm>>
      %dma_wait3A_75 = tpu.memref_squeeze %dma_wait3A_74 : memref<1x10240xf32, #tpu.memory_space<hbm>> -> memref<10240xf32, #tpu.memory_space<hbm>>
      tpu.wait_dma2 semaphore(%run_scoped3A : memref<!tpu.dma_semaphore, #tpu.memory_space<semaphore_mem>>) src(%arg5 : memref<10240xf32, #tpu.memory_space<vmem>>) dst(%dma_wait3A_75 : memref<10240xf32, #tpu.memory_space<hbm>>)
      tpu.yield
    }) : () -> ()
    return
  }
}

module attributes {stable_mosaic.version = 14 : i64} {
  func.func @_scale_matmul_body(%arg0: i32, %arg1: memref<2048x128xf32, #tpu.memory_space<vmem>>, %arg2: memref<128x128xf32, #tpu.memory_space<vmem>>, %arg3: memref<32x2048xf32, #tpu.memory_space<vmem>>, %arg4: memref<2048x128xf32, #tpu.memory_space<vmem>>) attributes {dimension_semantics = [#tpu.dimension_semantics<arbitrary>], iteration_bounds = array<i64: 5>, scalar_prefetch = 0 : i64, scratch_operands = 0 : i64, tpu.core_type = #tpu.core_type<tc>, window_params = [{transform_indices = @transform_0, window_bounds = array<i64: 2048, 128>}, {pipeline_mode = #tpu.pipeline_mode<synchronous>, transform_indices = @transform_1, window_bounds = array<i64: 128, 128>}, {transform_indices = @transform_2, window_bounds = array<i64: 32, 2048>}, {transform_indices = @transform_3, window_bounds = array<i64: 2048, 128>}]} {
    %get3A = arith.constant 0 : index
    %get3A_0 = arith.constant 0 : index
    %get3A_1 = vector.load %arg3[%get3A, %get3A_0] : memref<32x2048xf32, #tpu.memory_space<vmem>>, vector<32x2048xf32>
    %reduce_sum3A = arith.constant dense<0.000000e+00> : vector<2048xf32>
    %reduce_sum3A_2 = vector.multi_reduction <add>, %get3A_1, %reduce_sum3A [0] : vector<32x2048xf32> to vector<2048xf32>
    %get3A_3 = arith.constant 0 : index
    %get3A_4 = arith.constant 0 : index
    %get3A_5 = vector.load %arg1[%get3A_3, %get3A_4] : memref<2048x128xf32, #tpu.memory_space<vmem>>, vector<2048x128xf32>
    %get3A_6 = arith.constant 0 : index
    %get3A_7 = arith.constant 0 : index
    %get3A_8 = vector.load %arg2[%get3A_6, %get3A_7] : memref<128x128xf32, #tpu.memory_space<vmem>>, vector<128x128xf32>
    %dot_general3A = arith.constant dense<0.000000e+00> : vector<2048x128xf32>
    %dot_general3A_9 = tpu.matmul %get3A_5, %get3A_8, %dot_general3A {dimension_numbers = #tpu.dot_dimension_numbers<[1], [0], [0], [1], [0, 0, 1, 1], [], []>, transpose_lhs_hint = false} : vector<2048x128xf32>, vector<128x128xf32>, vector<2048x128xf32> -> vector<2048x128xf32>
    %broadcast_in_dim3A = vector.shape_cast %reduce_sum3A_2 : vector<2048xf32> to vector<2048x1xf32>
    %mul3A = vector.broadcast %broadcast_in_dim3A : vector<2048x1xf32> to vector<2048x128xf32>
    %mul3A_10 = arith.mulf %dot_general3A_9, %mul3A : vector<2048x128xf32>
    %swap3A = arith.constant 0 : index
    %swap3A_11 = arith.constant 0 : index
    %swap3A_12 = vector.load %arg4[%swap3A, %swap3A_11] : memref<2048x128xf32, #tpu.memory_space<vmem>>, vector<2048x128xf32>
    tpu.vector_store %arg4[%swap3A, %swap3A_11], %mul3A_10 {strides = array<i32>} : memref<2048x128xf32, #tpu.memory_space<vmem>>, vector<2048x128xf32>,
    return
  }
  func.func @transform_0(%arg0: i32) -> (i32, i32) {
    %c0_i32 = arith.constant 0 : i32
    %c0_i32_0 = arith.constant 0 : i32
    return %arg0, %c0_i32 : i32, i32
  }
  func.func @transform_1(%arg0: i32) -> (i32, i32) {
    %c0_i32 = arith.constant 0 : i32
    %c0_i32_0 = arith.constant 0 : i32
    %c0_i32_1 = arith.constant 0 : i32
    return %c0_i32, %c0_i32_0 : i32, i32
  }
  func.func @transform_2(%arg0: i32) -> (i32, i32) {
    %c0_i32 = arith.constant 0 : i32
    %c0_i32_0 = arith.constant 0 : i32
    return %c0_i32, %arg0 : i32, i32
  }
  func.func @transform_3(%arg0: i32) -> (i32, i32) {
    %c0_i32 = arith.constant 0 : i32
    %c0_i32_0 = arith.constant 0 : i32
    return %arg0, %c0_i32 : i32, i32
  }
}

</mosaic_0001>

<sc_bundles>
// kernel: edge_target_histogram.3.cloned.1.call-start
scs
__scs_entry_jumppad:
0x0: {  	(pc) =	sbr.rel $0x88, $3  }
0x1: {  	(tag) =	ssettag $0x0;
	lr =	simm.s32 $0x1  }
0x2: {  	[smem:$0x3F9E] =	sst lr;
	_ =	strace $0xD0000000  }
0x3: {  	_ = 	snop  }
0x4: {  	_ = 	snop  }
0x5: {  	_ = 	snop  }
0x6: {  	_ = 	snop  }
0x7: {  	_ = 	snop  }
__scs_overlays_trampoline_lowered:
0x8: {  	[smem:$0x3FAD] =	sst s0  }
0x9: {  	[smem:$0x3FAE] =	sst s1  }
0xa: {  	[smem:$0x3FAF] =	sst s2  }
0xb: {  	[smem:$0x3FB0] =	sst s3  }
0xc: {  	[smem:$0x3FB1] =	sst s4  }
0xd: {  	[smem:$0x3FB2] =	sst s5  }
0xe: {  	[smem:$0x3FB3] =	sst s6  }
0xf: {  	[smem:$0x3FB4] =	sst s7  }
0x10: {  	[smem:$0x3FB5] =	sst s8  }
0x11: {  	[smem:$0x3FB6] =	sst s9;
	s0 =	simm.s32 @!p0 $0x0  }
0x12: {  	s1 =	sld [smem:$0x3F9C];
	s0 =	simm.s32 @p0 $0x1  }
0x13: {  	[smem:$0x3FB7] =	sst s0;
	s0 =	simm.s32 @!p1 $0x0  }
0x14: {  	s2 =	sld [smem:$0x3F9B];
	s0 =	simm.s32 @p1 $0x1  }
0x15: {  	[smem:$0x3FB8] =	sst s0;
	s0 =	simm.s32 @!p2 $0x0  }
0x16: {  	s3 =	sld [smem:$0x3FDB];
	s0 =	simm.s32 @p2 $0x1  }
0x17: {  	s4 =	simm.s32 $0x1BF5;
	[smem:$0x3FBA] =	sst s0  }
0x18: {  	s0 =	sld [smem:$0x3F9D];
	_ =	swait.ge [sflag:s4], $0x0  }
0x19: {  	s7 =	sld [smem:$0x3F9E]  }
0x1a: {  	s8 =	sadd.s32 $0xFFFFE003, lr  }
0x1b: {  	s9 =	sadd.s32 $0xFFFFFEF7, lr;
	s5 =	simm.s32 $0xFFFFFFFF;
	p2 =	slt.u32 s8, $0xFFFFF086  }
0x1c: {  	p1 =	slt.u32 s9, $0xF7A;
	s5 =	simm.s32 @!p2 $0x0  }
0x1d: {  	s5 =	simm.s32 @p1 $0x1;
	p0 =	seq.s32 s7, s2  }
0x1e: {  	s7 =	smul.u32 @!p0 $0xF7A, s2;
	p2 =	seq.s32 @!p0 s5, $0x0  }
0x1f: {  	s9 =	smul.u32 $0xF7A, s1;
	s8 =	simm.s32 @!p0 $0x1BF5;
	p2 =	por !p2, p0  }
0x20: {  	[sflag:s8] =	ssyncset.s32 @!p0 $0xFFFFF086;
	s6 =	sadd.s32 @!p0 s3, s7;
	s7 =	simm.s32 @!p0 $0x108  }
0x21: {  	s3 =	sadd.s32 s3, s9;
	s6 =	sadd.s32 @!p0 $0x88, s6;
	s7 =	simm.s32 @p2 $0x1082  }
0x22: {  	[simem:s7], [sflag:s8] =	dma.local @!p0 [hbm:s6], $0xF7A  }
0x23: {  	s9 =	sor.u32 $0xD0000000, s2;
	s6 =	simm.s32 $0x108;
	_ =	swait.ge @!p0 [sflag:s8], $0x0  }
0x24: {  	s3 =	sadd.s32 $0x88, s3;
	s6 =	simm.s32 @!p1 $0x1082;
	[sflag:s4] =	ssyncset.s32 $0xFFFFF086  }
0x25: {  	[simem:s6], [sflag:s4] =	dma.local [hbm:s3], $0xF7A  }
0x26: {  	[smem:$0x3F9E] =	sst s1;
	(tag) =	ssettag s2;
	_ =	strace s9  }
0x27: {  	s1 =	sld [smem:$0x3FAE]  }
0x28: {  	s2 =	sld [smem:$0x3FAF]  }
0x29: {  	s4 =	sld [smem:$0x3FB1]  }
0x2a: {  	p0 =	seq.s32 s5, $0x0;
	s5 =	sld [smem:$0x3FB2]  }
0x2b: {  	s6 =	sld [smem:$0x3FB3]  }
0x2c: {  	s7 =	sld [smem:$0x3FB4]  }
0x2d: {  	s3 =	simm.s32 $0x108;
	s8 =	sld [smem:$0x3FB5]  }
0x2e: {  	s3 =	simm.s32 @!p0 $0x1082;
	s9 =	sld [smem:$0x3FB6]  }
0x2f: {  	lr =	sadd.s32 s0, s3;
	s0 =	sld [smem:$0x3FAD]  }
0x30: {  	s3 =	sld [smem:$0x3FB0]  }
0x31: {  	[smem:$0x3FB9] =	sst s10  }
0x32: {  	s10 =	sld [smem:$0x3FB7];
	_ =	sdelay $0x3  }
0x33: {  	p0 =	seq.s32 s10, $0x1;
	s10 =	sld [smem:$0x3FB9];
	_ =	sdelay $0x3  }
0x34: {  	[smem:$0x3FB9] =	sst s10  }
0x35: {  	s10 =	sld [smem:$0x3FB8];
	_ =	sdelay $0x3  }
0x36: {  	p1 =	seq.s32 s10, $0x1;
	s10 =	sld [smem:$0x3FB9];
	_ =	sdelay $0x3  }
0x37: {  	[smem:$0x3FB9] =	sst s10  }
0x38: {  	s10 =	sld [smem:$0x3FBA]  }
0x39: {  	_ = 	snop;
	(pc) =	sbr.ind lr, $3  }
0x3a: {  	_ = 	snop  }
0x3b: {  	_ = 	snop  }
0x3c: {  	p2 =	seq.s32 s10, $0x1;
	s10 =	sld [smem:$0x3FB9]  }
0x3d: {  	_ =	shalt  }
0x3e: {  	_ =	shalt  }
0x3f: {  	_ =	shalt  }
0x40: {  	_ =	shalt  }
0x41: {  	_ =	shalt  }
0x42: {  	_ =	shalt  }
0x43: {  	_ =	shalt  }
0x44: {  	_ =	shalt  }
0x45: {  	_ =	shalt  }
0x46: {  	_ =	shalt  }
0x47: {  	_ =	shalt  }
0x48: {  	_ =	shalt  }
0x49: {  	_ =	shalt  }
0x4a: {  	_ =	shalt  }
0x4b: {  	_ =	shalt  }
0x4c: {  	_ =	shalt  }
0x4d: {  	_ =	shalt  }
0x4e: {  	_ =	shalt  }
0x4f: {  	_ =	shalt  }
0x50: {  	_ =	shalt  }
0x51: {  	_ =	shalt  }
0x52: {  	_ =	shalt  }
0x53: {  	_ =	shalt  }
0x54: {  	_ =	shalt  }
0x55: {  	_ =	shalt  }
0x56: {  	_ =	shalt  }
0x57: {  	_ =	shalt  }
0x58: {  	_ =	shalt  }
0x59: {  	_ =	shalt  }
0x5a: {  	_ =	shalt  }
0x5b: {  	_ =	shalt  }
0x5c: {  	_ =	shalt  }
0x5d: {  	_ =	shalt  }
0x5e: {  	_ =	shalt  }
0x5f: {  	_ =	shalt  }
0x60: {  	_ =	shalt  }
0x61: {  	_ =	shalt  }
0x62: {  	_ =	shalt  }
0x63: {  	_ =	shalt  }
0x64: {  	_ =	shalt  }
0x65: {  	_ =	shalt  }
0x66: {  	_ =	shalt  }
0x67: {  	_ =	shalt  }
0x68: {  	_ =	shalt  }
0x69: {  	_ =	shalt  }
0x6a: {  	_ =	shalt  }
0x6b: {  	_ =	shalt  }
0x6c: {  	_ =	shalt  }
0x6d: {  	_ =	shalt  }
0x6e: {  	_ =	shalt  }
0x6f: {  	_ =	shalt  }
0x70: {  	_ =	shalt  }
0x71: {  	_ =	shalt  }
0x72: {  	_ =	shalt  }
0x73: {  	_ =	shalt  }
0x74: {  	_ =	shalt  }
0x75: {  	_ =	shalt  }
0x76: {  	_ =	shalt  }
0x77: {  	_ =	shalt  }
0x78: {  	_ =	shalt  }
0x79: {  	_ =	shalt  }
0x7a: {  	_ =	shalt  }
0x7b: {  	_ =	shalt  }
0x7c: {  	_ =	shalt  }
0x7d: {  	_ =	shalt  }
0x7e: {  	_ =	shalt  }
0x7f: {  	_ =	shalt  }
0x80: {  	_ =	shalt  }
0x81: {  	_ =	shalt  }
0x82: {  	_ =	shalt  }
0x83: {  	_ =	shalt  }
0x84: {  	_ =	shalt  }
0x85: {  	_ =	shalt  }
0x86: {  	_ =	shalt  }
0x87: {  	_ =	shalt  }
.Lfunc_end0:
.L_simem_size_0:
called_computation_lowered:
.L_overlay_start_0:
0x88: {  	s2 =	sld [smem:$0x3FD9]  }
0x89: {  	s3 =	sld [smem:$0x3FFE];
	_ =	sdelay $0x1  }
0x8a: {  	s1 =	srdreg.scid  }
0x8b: {  	s0 =	sand.u32 $0x1, s1  }
0x8c: {  	s18 =	sshll.u32 s0, $0xA;
	s2 =	sadd.s32 s3, s2  }
0x8d: {  	s2 =	sadd.s32 s2, s18  }
0x8e: {  	[smem:$0x3FC5] =	sst s2  }
0x8f: {  	_ = 	snop  }
0x90: {  	s2 =	sld [smem:$0x3FC9]  }
0x91: {  	s19 =	sld [smem:$0x3FD0];
	(tm) =	ssettm $0x1  }
0x92: {  	s4 =	sld [smem:$0x3FFB];
	_ =	sdelay $0x3  }
0x93: {  	_ =	strace s4  }
0x94: {  	s4 =	sld [smem:$0x3FFC];
	_ =	sdelay $0x3  }
0x95: {  	_ =	strace s4  }
0x96: {  	s4 =	sld [smem:$0x3FFD];
	_ =	sdelay $0x3  }
0x97: {  	_ =	strace s4  }
0x98: {  	_ =	strace $0x8FFFFFFF  }
0x99: {  	s20 =	sld [smem:$0x3FDB];
	_ =	sdelay $0x1  }
0x9a: {  	s5 =	simm.s32 $_scs_section_size  }
0x9b: {  	s6 =	simm.s32 $_size__tile_overlayer_lowered;
	s7 =	simm.s32 $_tile_overlayer_lowered  }
0x9c: {  	s23 =	simm.s32 $0x1BFF;
	s22 =	sshll.u32 s7, $0x1;
	s4 =	sadd.s32 s5, s20  }
0x9d: {  	s8 =	simm.s32 $0x0;
	s21 =	sshll.u32 s6, $0x1;
	s6 =	sadd.s32 s22, s4  }
0x9e: {  	[timem:s8], [sflag:s23] =	dma.local [hbm:s6], s21  }
0x9f: {  	_ =	swait.ge [sflag:s23], s21  }
0xa0: {  	s5 =	ssub.s32 $0x0, s21;
	[sflag:s23] =	ssyncset.done $0x0  }
0xa1: {  	[sflag:s23] =	ssyncadd.s32 s5;
	_ =	sdelay $0x1  }
0xa2: {  	s24 =	simm.s32 $0x1B8B  }
0xa3: {  	_ =	swait.ge [sflag:s24], $0x1  }
0xa4: {  	[sflag:s24] =	ssyncset.done $0x0  }
0xa5: {  	s25 =	simm.s32 $0x1B8E;
	[sflag:s24] =	ssyncadd.s32 $0xFFFFFFFF  }
0xa6: {  	s26 =	simm.s32 $execute0_lowered;
	[smem:$0x3FD2] =	sst s25  }
0xa7: {  	s5 =	sshll.u32 s26, $0x1;
	_ =	strace $0x80000046;
	[dreg:$0x1] =	wrdreg $0xFFFFFFFF  }
0xa8: {  	s28 =	simm.s32 $_size_execute0_lowered;
	s4 =	sadd.s32 s4, s5;
	[dreg:$0x0] =	wrdreg $0x0  }
0xa9: {  	s5 =	sshll.u32 s28, $0x1;
	[dreg:$0x2] =	wrdreg s4  }
0xaa: {  	[dreg:$0x3] =	wrdreg s5  }
0xab: {  	[dreg:$0x4] =	wrdreg $0xC0  }
0xac: {  	_ =	task [dreg:s8], $0x5FFFF  }
0xad: {  	[dreg:$0x1] =	wrdreg $0xFFFFFFFF  }
0xae: {  	[dreg:$0x0] =	wrdreg $0x60  }
0xaf: {  	[dreg:$0x2] =	wrdreg s2  }
0xb0: {  	[dreg:$0x3] =	wrdreg s19  }
0xb1: {  	[dreg:$0x4] =	wrdreg $0x9  }
0xb2: {  	_ =	task.clear_ibuf [dreg:s8], $0x5FFFF;
	_ =	strace $0x90000046  }
0xb3: {  	s29 =	simm.s32 $0x9;
	_ =	strace $0x80000048  }
0xb4: {  	_ =	swait.ge [sflag:s29], $0x1  }
0xb5: {  	[sflag:s29] =	ssyncadd.s32 $0xFFFFFFFF  }
0xb6: {  	_ =	strace $0x90000048  }
0xb7: {  	_ =	sfence  }
0xb8: {  	s30 =	sld [smem:$0x0];
	_ =	sdelay $0x2  }
0xb9: {  	s31 =	sshll.u32 s1, $0xD;
	s1 =	sshrl.u32 s1, $0x2  }
0xba: {  	s3 =	sand.u32 $0x4000, s31;
	s1 =	sadd.s32 s1, s30  }
0xbb: {  	s0 =	sor.u32 s3, s0;
	s1 =	sshll.u32 s1, $0x11  }
0xbc: {  	s0 =	sor.u32 s1, s0  }
0xbd: {  	s0 =	sadd.s32 $0x8F2B, s0  }
0xbe: {  	[sflag:s0] =	ssyncadd.remote.s32 $0x1  }
0xbf: {  	_ =	sfence.sel $0xFFFF  }
0xc0: {  	[dreg:$0x0] =	wrdreg $0xFFFFFFFF;
	(pc) =	sbr.abs _section_cstart, $3  }
0xc1: {  	[dreg:$0x1] =	wrdreg $0xFFFFFFFF  }
0xc2: {  	_ =	task.clear_ibuf [dreg:s8], $0x2FFFF;
	_ =	strace $0x9FFFFFFF  }
0xc3: {  	(tm) =	ssettm $0x7FFFFFFF  }
tec
execute0_lowered:
.L_overlay_start_1:
0x0: {  	(tag) =	ssettag $0x1  }
0x1: {  	s1 =	srdreg.scid;
	s0 =	stileid.u32  }
0x2: {  	s3 =	sand.u32 $0x1, s1;
	s25 =	sshll.u32 s0, $0x1  }
0x3: {  	s4 =	sor.u32 s3, s25  }
0x4: {  	s6 =	rddreg [dreg:$0x0];
	s5 =	smul.u32 $0x9C4, s4  }
0x5: {  	s7 =	rddreg [dreg:$0x1];
	s13 =	simm.s32 $0x0  }
0x6: {  	s11 =	sshrl.u32 s0, $0x2;
	s3 =	ssub.s32 $0x2, s3;
	s26 =	sadd.s32 $0x9C4, s5  }
0x7: {  	s11 =	smul.u32 $0x14000, s11;
	s2 =	sshrl.u32 s5, $0x5;
	s1 =	sshrl.u32 s26, $0x5  }
0x8: {  	s10 =	sshrl.u32 s3, $0x1;
	s4 =	sshll.u32 s4, $0x7;
	s8 =	ssub.s32 s1, s2  }
0x9: {  	s10 =	ssub.s32 s3, s10;
	s4 =	sand.u32 $0x380, s4;
	s9 =	sand.u32 $0x8000, s8  }
0xa: {  	s5 =	sand.u32 $0x1FFE0, s5;
	s29 =	sor.u32 s11, s4;
	s9 =	sshrl.u32 s9, $0xF  }
0xb: {  	s11 =	simm.s32 $0x400;
	s3 =	sadd.s32 s6, s5;
	s9 =	sadd.s32 s9, s8  }
0xc: {  	s30 =	sshrl.u32 s29, $0x3;
	s6 =	smax.u32 s10, $0x1;
	s9 =	sand.u32 $0xFFFE, s9  }
0xd: {  	s10 =	simm.s32 $0x80;
	s1 =	rddreg [dreg:$0x2];
	s9 =	ssub.s32 s8, s9  }
.Ltmp0:
0xe: {  	s2 =	simm.s32 $0x0;
	s28 =	sshll.u32 s9, $0x10;
	(pc) =	sbr.rel .LBB2_1-.Ltmp0, $4  }
0xf: {  	s5 =	sadd.s32 s7, s30;
	[smem:$0x7FF] =	sst s2;
	s12 =	sshra.s32 s28, $0x10  }
0x10: {  	_ =	strace $0x80000047;
	s9 =	simm.s32 $0x4F00;
	s4 =	ssub.s32 s8, s12  }
0x11: {  	s8 =	simm.s32 $0x1;
	p1 =	slt.s32 s12, $0x1;
	s31 =	sshll.u32 s4, $0xA  }
0x12: {  	v0 =	vimm.f32 $0.0e+00;
	v1 =	vimm.f32 $1.000000000e+00;
	s12 =	simm.s32 $0x2;
	p0 =	slt.s32 s4, $0x1;
	s7 =	sshra.s32 s31, $0x2  }
.LBB2_5:
0x13: {  	s15 =	simm.s32 $0x180  }
.LBB2_8:
0x14: {  	_ =	sdelay $0x3  }
0x15: {  	[tilespmem:v3+s9+$0x0] =	vst.idx.add.f32.msk $0xffff, v1  }
0x16: {  	[tilespmem:v4+s9+$0x0] =	vst.idx.add.f32.msk $0xffff, v1  }
0x17: {  	v3 =	vld [tilespmem:s15+$0x40]  }
0x18: {  	v4 =	vld [tilespmem:s15+$0xFFFFFF40];
	_ =	sdelay $0x6  }
0x19: {  	[tilespmem:v3+s9+$0x0] =	vst.idx.add.f32.msk $0xffff, v1  }
0x1a: {  	[tilespmem:v4+s9+$0x0] =	vst.idx.add.f32.msk $0xffff, v1  }
0x1b: {  	v3 =	vld [tilespmem:s15+$0x50]  }
0x1c: {  	v4 =	vld [tilespmem:s15+$0xFFFFFF50];
	_ =	sdelay $0x6  }
0x1d: {  	[tilespmem:v3+s9+$0x0] =	vst.idx.add.f32.msk $0xffff, v1  }
0x1e: {  	[tilespmem:v4+s9+$0x0] =	vst.idx.add.f32.msk $0xffff, v1  }
0x1f: {  	v3 =	vld [tilespmem:s15+$0x60]  }
0x20: {  	v4 =	vld [tilespmem:s15+$0xFFFFFF60];
	_ =	sdelay $0x4  }
0x21: {  	[tilespmem:v2+s9+$0x0] =	vst.idx.add.f32.msk @p2 $0xffff, v1  }
0x22: {  	v2 =	vld @p2 [tilespmem:s14+$0xFFFFFF70]  }
0x23: {  	[tilespmem:v3+s9+$0x0] =	vst.idx.add.f32.msk $0xffff, v1  }
0x24: {  	[tilespmem:v4+s9+$0x0] =	vst.idx.add.f32.msk $0xffff, v1  }
0x25: {  	v3 =	vld [tilespmem:s15+$0x70]  }
0x26: {  	v4 =	vld [tilespmem:s15+$0xFFFFFF70];
	_ =	sdelay $0x4  }
0x27: {  	[tilespmem:v5+s9+$0x0] =	vst.idx.add.f32.msk @p2 $0xffff, v1  }
0x28: {  	[tilespmem:v2+s9+$0x0] =	vst.idx.add.f32.msk @p2 $0xffff, v1  }
0x29: {  	[tilespmem:v3+s9+$0x0] =	vst.idx.add.f32.msk $0xffff, v1  }
0x2a: {  	[tilespmem:v4+s9+$0x0] =	vst.idx.add.f32.msk $0xffff, v1  }
.LBB2_9:
0x2b: {  	v2 =	vld @!p1 [tilespmem:s7+$0x80];
	_ =	sdelay $0x6  }
0x2c: {  	v3 =	vimm.f32 @!p1 $1.000000000e+00;
	s14 =	simm.s32 @!p1 $0x4F00  }
0x2d: {  	[tilespmem:v2+s14+$0x0] =	vst.idx.add.f32.msk @!p1 $0xffff, v3  }
0x2e: {  	v2 =	vld @!p1 [tilespmem:s7+$0x90];
	_ =	sdelay $0x7  }
0x2f: {  	[tilespmem:v2+s14+$0x0] =	vst.idx.add.f32.msk @!p1 $0xffff, v3  }
0x30: {  	v2 =	vld @!p1 [tilespmem:s7+$0xA0];
	_ =	sdelay $0x7  }
0x31: {  	[tilespmem:v2+s14+$0x0] =	vst.idx.add.f32.msk @!p1 $0xffff, v3  }
0x32: {  	v2 =	vld @!p1 [tilespmem:s7+$0xB0];
	_ =	sdelay $0x7  }
0x33: {  	[tilespmem:v2+s14+$0x0] =	vst.idx.add.f32.msk @!p1 $0xffff, v3  }
0x34: {  	v2 =	vld @!p1 [tilespmem:s7+$0xC0];
	_ =	sdelay $0x7  }
0x35: {  	[tilespmem:v2+s14+$0x0] =	vst.idx.add.f32.msk @!p1 $0xffff, v3  }
0x36: {  	v2 =	vld @!p1 [tilespmem:s7+$0xD0];
	_ =	sdelay $0x7  }
0x37: {  	[tilespmem:v2+s14+$0x0] =	vst.idx.add.f32.msk @!p1 $0xffff, v3  }
0x38: {  	v2 =	vld @!p1 [tilespmem:s7+$0xE0];
	_ =	sdelay $0x7  }
0x39: {  	[tilespmem:v2+s14+$0x0] =	vst.idx.add.f32.msk @!p1 $0xffff, v3  }
0x3a: {  	v2 =	vld @!p1 [tilespmem:s7+$0xF0];
	_ =	sdelay $0x5  }
0x3b: {  	s13 =	sadd.s32 $0x1, s13  }
0x3c: {  	p2 =	sne.s32 s13, s6  }
.Ltmp1:
0x3d: {  	[tilespmem:v2+s14+$0x0] =	vst.idx.add.f32.msk @!p1 $0xffff, v3;
	(pc) =	sbr.rel @!p2 .LBB2_10-.Ltmp1, $4  }
0x3e: {  	[hbm4b:s5+s10] =	stream.strided.scatter [tilespmem:s9], [sflag:$0x2], $0x2800, s11, s10, $0x38;
	[tilespmem:$0x7700] =	vst v63  }
0x3f: {  	_ =	swait.ge [sflag:s12], $0x2800  }
0x40: {  	[sflag:s12] =	ssyncset.done $0x0  }
0x41: {  	[sflag:s12] =	ssyncadd.s32 $0xFFFFD800  }
.LBB2_1:
0x42: {  	[tilespmem:s2], [sflag:$0x1] =	stream.linear.gather [hbm4b:s3+s2], $0x4F00, $0x38;
	[tilespmem:$0x7700] =	vst v63  }
0x43: {  	s14 =	simm.s32 $0x4F40  }
0x44: {  	[tilespmem:s14+$0xFFFFFFC0] =	vst v0  }
0x45: {  	[tilespmem:s14+$0x30] =	vst v0  }
0x46: {  	[tilespmem:s14+$0x20] =	vst v0  }
0x47: {  	[tilespmem:s14+$0x10] =	vst v0  }
0x48: {  	[tilespmem:s14+$0x0] =	vst v0  }
0x49: {  	[tilespmem:s14+$0xFFFFFFF0] =	vst v0  }
0x4a: {  	s15 =	simm.s32 $0x0;
	[tilespmem:s14+$0xFFFFFFE0] =	vst v0  }
.LBB2_2:
0x4b: {  	s15 =	sadd.s32 $0x8, s15;
	[tilespmem:s14+$0xFFFFFFD0] =	vst v0;
	s14 =	sadd.s32 $0x80, s14  }
0x4c: {  	[tilespmem:s14+$0xFFFFFFC0] =	vst v0;
	p2 =	slt.u32 s15, $0x278  }
0x4d: {  	[tilespmem:s14+$0x30] =	vst v0  }
.Ltmp2:
0x4e: {  	[tilespmem:s14+$0x20] =	vst v0;
	(pc) =	sbr.rel @p2 .LBB2_2-.Ltmp2, $4  }
0x4f: {  	[tilespmem:s14+$0x10] =	vst v0  }
0x50: {  	[tilespmem:s14+$0x0] =	vst v0  }
0x51: {  	[tilespmem:s14+$0xFFFFFFF0] =	vst v0  }
0x52: {  	[tilespmem:s14+$0xFFFFFFE0] =	vst v0  }
.Ltmp3:
0x53: {  	(pc) =	sbr.rel @p0 .LBB2_9-.Ltmp3, $4  }
0x54: {  	[tilespmem:s14+$0xFFFFFFD0] =	vst v0  }
0x55: {  	_ =	swait.ge [sflag:s8], $0x4F00  }
0x56: {  	[sflag:s8] =	ssyncset.done $0x0  }
0x57: {  	[sflag:s8] =	ssyncadd.s32 $0xFFFFB100  }
0x58: {  	s14 =	simm.s32 $0x180  }
0x59: {  	v2 =	vld [tilespmem:s14+$0x0]  }
0x5a: {  	v3 =	vld [tilespmem:s14+$0xFFFFFF00];
	_ =	sdelay $0x6  }
0x5b: {  	[tilespmem:v2+s9+$0x0] =	vst.idx.add.f32.msk $0xffff, v1  }
0x5c: {  	[tilespmem:v3+s9+$0x0] =	vst.idx.add.f32.msk $0xffff, v1  }
0x5d: {  	v2 =	vld [tilespmem:s14+$0x10]  }
0x5e: {  	v3 =	vld [tilespmem:s14+$0xFFFFFF10];
	_ =	sdelay $0x6  }
0x5f: {  	[tilespmem:v2+s9+$0x0] =	vst.idx.add.f32.msk $0xffff, v1  }
0x60: {  	[tilespmem:v3+s9+$0x0] =	vst.idx.add.f32.msk $0xffff, v1  }
0x61: {  	v2 =	vld [tilespmem:s14+$0x20]  }
0x62: {  	v4 =	vld [tilespmem:s14+$0xFFFFFF20];
	_ =	sdelay $0x6  }
0x63: {  	p3 =	sgt.s32 s4, $0x2;
	[tilespmem:v2+s9+$0x0] =	vst.idx.add.f32.msk $0xffff, v1  }
.Ltmp4:
0x64: {  	[tilespmem:v4+s9+$0x0] =	vst.idx.add.f32.msk $0xffff, v1;
	(pc) =	sbr.rel @!p3 .LBB2_5-.Ltmp4, $3  }
0x65: {  	v3 =	vld [tilespmem:s14+$0x30]  }
0x66: {  	v4 =	vld [tilespmem:s14+$0xFFFFFF30];
	_ =	sdelay $0x1  }
0x67: {  	s15 =	simm.s32 $0x380;
	p2 =	por $0x0, $0x0  }
0x68: {  	_ =	sdelay $0x1  }
0x69: {  	v2 =	vld [tilespmem:s15+$0x0];
	_ =	sdelay $0x1  }
0x6a: {  	v5 =	vld [tilespmem:s15+$0xFFFFFF00]  }
0x6b: {  	[tilespmem:v3+s9+$0x0] =	vst.idx.add.f32.msk $0xffff, v1  }
0x6c: {  	v3 =	vld [tilespmem:s14+$0x40];
	_ =	sdelay $0x1  }
0x6d: {  	[tilespmem:v4+s9+$0x0] =	vst.idx.add.f32.msk $0xffff, v1  }
0x6e: {  	v4 =	vld [tilespmem:s14+$0xFFFFFF40]  }
0x6f: {  	[tilespmem:v2+s9+$0x0] =	vst.idx.add.f32.msk $0xffff, v1  }
0x70: {  	v2 =	vld [tilespmem:s15+$0x10]  }
0x71: {  	[tilespmem:v5+s9+$0x0] =	vst.idx.add.f32.msk $0xffff, v1  }
0x72: {  	v5 =	vld [tilespmem:s15+$0xFFFFFF10]  }
0x73: {  	[tilespmem:v3+s9+$0x0] =	vst.idx.add.f32.msk $0xffff, v1  }
0x74: {  	v3 =	vld [tilespmem:s14+$0x50];
	_ =	sdelay $0x1  }
0x75: {  	[tilespmem:v4+s9+$0x0] =	vst.idx.add.f32.msk $0xffff, v1  }
0x76: {  	v4 =	vld [tilespmem:s14+$0xFFFFFF50]  }
0x77: {  	[tilespmem:v2+s9+$0x0] =	vst.idx.add.f32.msk $0xffff, v1  }
0x78: {  	v6 =	vld [tilespmem:s15+$0x20]  }
0x79: {  	[tilespmem:v5+s9+$0x0] =	vst.idx.add.f32.msk $0xffff, v1  }
0x7a: {  	v5 =	vld [tilespmem:s15+$0xFFFFFF20]  }
0x7b: {  	[tilespmem:v3+s9+$0x0] =	vst.idx.add.f32.msk $0xffff, v1  }
0x7c: {  	v7 =	vld [tilespmem:s14+$0x60];
	_ =	sdelay $0x1  }
0x7d: {  	[tilespmem:v4+s9+$0x0] =	vst.idx.add.f32.msk $0xffff, v1  }
0x7e: {  	v2 =	vld [tilespmem:s14+$0xFFFFFF60]  }
0x7f: {  	p3 =	sgt.s32 s4, $0x4;
	[tilespmem:v6+s9+$0x0] =	vst.idx.add.f32.msk $0xffff, v1  }
.Ltmp5:
0x80: {  	v3 =	vld [tilespmem:s15+$0x30];
	(pc) =	sbr.rel @!p3 .LBB2_8-.Ltmp5, $4  }
0x81: {  	[tilespmem:v5+s9+$0x0] =	vst.idx.add.f32.msk $0xffff, v1  }
0x82: {  	v4 =	vld [tilespmem:s15+$0xFFFFFF30]  }
0x83: {  	[tilespmem:v7+s9+$0x0] =	vst.idx.add.f32.msk $0xffff, v1  }
0x84: {  	s16 =	simm.s32 $0x4;
	s17 =	simm.s32 $0x580;
	p2 =	por $0x1, $0x1;
	v5 =	vld [tilespmem:s14+$0x70]  }
.LBB2_7:
0x85: {  	v6 =	vld [tilespmem:s17+$0x0];
	s16 =	sadd.s32 $0x2, s16  }
0x86: {  	v7 =	vld [tilespmem:s17+$0xFFFFFF00];
	p3 =	slt.s32 s16, s4  }
0x87: {  	[tilespmem:v2+s9+$0x0] =	vst.idx.add.f32.msk $0xffff, v1  }
0x88: {  	[tilespmem:v3+s9+$0x0] =	vst.idx.add.f32.msk $0xffff, v1  }
0x89: {  	v2 =	vld [tilespmem:s15+$0x40]  }
0x8a: {  	[tilespmem:v4+s9+$0x0] =	vst.idx.add.f32.msk $0xffff, v1  }
0x8b: {  	v3 =	vld [tilespmem:s15+$0xFFFFFF40]  }
0x8c: {  	[tilespmem:v5+s9+$0x0] =	vst.idx.add.f32.msk $0xffff, v1  }
0x8d: {  	[tilespmem:v6+s9+$0x0] =	vst.idx.add.f32.msk $0xffff, v1  }
0x8e: {  	v4 =	vld [tilespmem:s17+$0x10]  }
0x8f: {  	[tilespmem:v7+s9+$0x0] =	vst.idx.add.f32.msk $0xffff, v1  }
0x90: {  	v5 =	vld [tilespmem:s17+$0xFFFFFF10]  }
0x91: {  	[tilespmem:v2+s9+$0x0] =	vst.idx.add.f32.msk $0xffff, v1  }
0x92: {  	v2 =	vld [tilespmem:s15+$0x50]  }
0x93: {  	[tilespmem:v3+s9+$0x0] =	vst.idx.add.f32.msk $0xffff, v1  }
0x94: {  	v3 =	vld [tilespmem:s15+$0xFFFFFF50]  }
0x95: {  	v6 =	vld [tilespmem:s14+$0xFFFFFF70];
	s14 =	smov.u32 s15;
	s15 =	smov.u32 s17  }
0x96: {  	[tilespmem:v4+s9+$0x0] =	vst.idx.add.f32.msk $0xffff, v1  }
0x97: {  	v4 =	vld [tilespmem:s17+$0x20]  }
0x98: {  	[tilespmem:v5+s9+$0x0] =	vst.idx.add.f32.msk $0xffff, v1  }
0x99: {  	v5 =	vld [tilespmem:s17+$0xFFFFFF20]  }
0x9a: {  	[tilespmem:v2+s9+$0x0] =	vst.idx.add.f32.msk $0xffff, v1  }
0x9b: {  	v7 =	vld [tilespmem:s14+$0x60]  }
0x9c: {  	[tilespmem:v3+s9+$0x0] =	vst.idx.add.f32.msk $0xffff, v1  }
0x9d: {  	v2 =	vld [tilespmem:s14+$0xFFFFFF60]  }
0x9e: {  	[tilespmem:v6+s9+$0x0] =	vst.idx.add.f32.msk $0xffff, v1  }
0x9f: {  	[tilespmem:v4+s9+$0x0] =	vst.idx.add.f32.msk $0xffff, v1  }
.Ltmp6:
0xa0: {  	v3 =	vld [tilespmem:s17+$0x30];
	(pc) =	sbr.rel @p3 .LBB2_7-.Ltmp6, $4  }
0xa1: {  	[tilespmem:v5+s9+$0x0] =	vst.idx.add.f32.msk $0xffff, v1  }
0xa2: {  	v4 =	vld [tilespmem:s17+$0xFFFFFF30]  }
0xa3: {  	[tilespmem:v7+s9+$0x0] =	vst.idx.add.f32.msk $0xffff, v1  }
0xa4: {  	s17 =	sadd.s32 $0x200, s17;
	v5 =	vld [tilespmem:s14+$0x70]  }
.Ltmp7:
0xa5: {  	_ = 	snop;
	(pc) =	sbr.rel .LBB2_8-.Ltmp7, $1  }
0xa6: {  	_ =	sdelay $0x3  }
.LBB2_10:
0xa7: {  	_ =	sfence.sel $0x180000  }
0xa8: {  	[bflag:$0x0] =	sbarrier.arrive $0xFFFF  }
0xa9: {  	p0 =	sne.s32 s0, $0x0;
	_ =	strace $0x90000047  }
0xaa: {  	s0 =	sadd.s32 @!p0 $0x100000, s1;
	[bflag:$0x2] =	sbarrier.arrive $0xFFFF  }
0xab: {  	[sflag:s0] =	ssyncadd.tile.s32 @!p0 $0x1;
	_ =	shalt  }
.Lfunc_end2:
_tile_overlayer_lowered:
.L_overlay_start_2:
0xac: {  	(tag) =	ssettag $0x2  }
0xad: {  	s0 =	rddreg [dreg:$0x0];
	s2 =	stileid.u32  }
0xae: {  	s1 =	rddreg [dreg:$0x1];
	p0 =	sne.s32 s2, $0x0  }
0xaf: {  	s3 =	rddreg [dreg:$0x2];
	[bflag:$0x3] =	sbarrier.arrive $0xFFFF;
	s2 =	simm.s32 @!p0 $0x1C02  }
0xb0: {  	[timem:s3], [sflag:s2] =	dma.local @!p0 [hbm:s0], s1  }
0xb1: {  	s0 =	simm.s32 @!p0 $0x2  }
0xb2: {  	_ =	swait.ge @!p0 [sflag:s0], s1  }
0xb3: {  	s1 =	ssub.s32 @!p0 $0x0, s1;
	[sflag:s0] =	ssyncset.done @!p0 $0x0  }
0xb4: {  	[sflag:s0] =	ssyncadd.s32 @!p0 s1  }
0xb5: {  	[bflag:$0x3] =	sbarrier.arrive $0xFFFF  }
0xb6: {  	_ =	shalt  }

</sc_bundles>
